<compile_context>
chip_gen: v7x
topology: tpu7x:2x2x1
jax: 0.10.2.dev20260603
libtpu: 0.0.44.dev20260713+nightly
codegen_flags: <defaults>
</compile_context>

<pallas_src>
import functools

import jax
import jax.numpy as jnp
from jax import lax
from jax.experimental import pallas as pl
from jax.experimental.pallas import tpu as pltpu
from jax.experimental.pallas import tpu_sc as plsc

_D_MODEL = 2048
_N_EXP = 16
_TOKENS = 16384
_TB = 1024
_GRID = _TOKENS // _TB


def _gate_kernel(x_ref, wg_ref, cw_ref, laux_ref, acc_ref):
    step = pl.program_id(0)

    @pl.when(step == 0)
    def _init():
        acc_ref[...] = jnp.zeros_like(acc_ref)

    logits = jnp.dot(x_ref[...], wg_ref[...], preferred_element_type=jnp.float32)
    lt = logits.T
    m = jnp.max(lt, axis=0, keepdims=True)
    e = jnp.exp(lt - m)
    s = jnp.sum(e, axis=0, keepdims=True)
    gt = e / s

    sio = jax.lax.broadcasted_iota(jnp.int32, (_N_EXP, _TB), 0)
    g1 = jnp.max(gt, axis=0, keepdims=True)
    i1 = jnp.min(jnp.where(gt == g1, sio, _N_EXP), axis=0, keepdims=True)
    hit1 = sio == i1
    masked = jnp.where(hit1, -jnp.inf, gt)
    g2 = jnp.max(masked, axis=0, keepdims=True)
    i2 = jnp.min(jnp.where(masked == g2, sio, _N_EXP), axis=0, keepdims=True)
    cw_ref[...] = jnp.where(hit1 | (sio == i2), gt, 0.0)

    acc_ref[0:_N_EXP, 0:1] += jnp.sum(gt, axis=1, keepdims=True)
    acc_ref[0:_N_EXP, 1:2] += jnp.sum(
        jnp.where(hit1, 1.0, 0.0), axis=1, keepdims=True
    )

    @pl.when(step == _GRID - 1)
    def _fin():
        me = acc_ref[0:_N_EXP, 0:1] * (1.0 / _TOKENS)
        ce = acc_ref[0:_N_EXP, 1:2] * (1.0 / _TOKENS)
        laux_ref[...] = jnp.sum(me * ce, keepdims=True) * float(_N_EXP)


_SC_ROWS_PER_TILE = 128
_SC_CHUNK = 32
_SC_TILES = 32

_sc_mesh = plsc.VectorSubcoreMesh(core_axis_name="c", subcore_axis_name="s")


@functools.partial(
    pl.kernel,
    mesh=_sc_mesh,
    out_type=jax.ShapeDtypeStruct((_SC_TILES, 16), jnp.float32),
    scratch_types=[
        pltpu.VMEM((_SC_CHUNK, _D_MODEL), jnp.float32),
        pltpu.VMEM((1, 16), jnp.float32),
        pltpu.SemaphoreType.DMA,
    ],
)
def _sc_probe(x_hbm, out_hbm, buf, ovec, sem):
    c = lax.axis_index("c")
    s = lax.axis_index("s")
    wid = s * 2 + c
    base = wid * _SC_ROWS_PER_TILE

    def body(j, acc):
        pltpu.async_copy(
            x_hbm.at[pl.ds(base + j * _SC_CHUNK, _SC_CHUNK)], buf, sem
        ).wait()
        return acc + buf[0, 0:16]

    acc = lax.fori_loop(
        0, _SC_ROWS_PER_TILE // _SC_CHUNK, body, jnp.zeros((16,), jnp.float32)
    )
    ovec[0, :] = acc
    pltpu.sync_copy(ovec, out_hbm.at[pl.ds(wid, 1)])


@jax.jit
def _run(x, wg):
    sc_out = _sc_probe(x)
    cw, laux = pl.pallas_call(
        _gate_kernel,
        grid=(_GRID,),
        in_specs=[
            pl.BlockSpec((_TB, _D_MODEL), lambda i: (i, 0)),
            pl.BlockSpec((_D_MODEL, _N_EXP), lambda i: (0, 0)),
        ],
        out_specs=[
            pl.BlockSpec((_N_EXP, _TB), lambda i: (0, i)),
            pl.BlockSpec((1, 1), lambda i: (0, 0)),
        ],
        out_shape=[
            jax.ShapeDtypeStruct((_N_EXP, _TOKENS), jnp.float32),
            jax.ShapeDtypeStruct((1, 1), jnp.float32),
        ],
        scratch_shapes=[pltpu.VMEM((_N_EXP, 128), jnp.float32)],
    )(x, wg)
    return laux[0, 0] + 0.0 * sc_out[0, 0], cw


def kernel(x, wg):
    return _run(x, wg)

# --- scband reference (transcript-rebuilt; emitter-appended) ---
"""Pipeline reference for scband-top2-gate-11940009083381 (READ-ONLY COPY).

The authoritative reference and input builder live on the scoring server;
editing this copy changes nothing except your own understanding.
"""

import jax, jax.numpy as jnp
import numpy as np

D_MODEL = 2048
NUM_EXPERTS = 16
TOKENS = 16384
TEMPERATURE = 1.0


def setup_inputs(seed: int = 0) -> dict:
    key = jax.random.key(seed)
    k1, k2 = jax.random.split(key)
    x = jax.random.normal(k1, (TOKENS, D_MODEL), dtype=jnp.float32)
    # gate projection weight (torch.nn.Linear(model_dim, num_experts, bias=False)),
    # stored here already transposed to [model_dim, num_experts]
    wg = jax.random.normal(k2, (D_MODEL, NUM_EXPERTS), dtype=jnp.float32) * 0.02
    return {"x": x, "wg": wg}


def reference(x, wg):
    # logits = self.wg(input)
    logits = x @ wg
    # gates = softmax(logits / temperature, dim=1)
    gates = jax.nn.softmax(logits / TEMPERATURE, axis=1)
    # top2 probs/indices
    top2_probs, top2_idx = jax.lax.top_k(gates, 2)
    S = gates.shape[0]
    rows = jnp.arange(S)[:, None]
    # mask.scatter_(1, top2_indices, top2_probs)
    combine = jnp.zeros_like(gates).at[rows, top2_idx].set(top2_probs)
    # combine_weights.permute(1, 0)
    combine_weights = combine.T
    # auxiliary load-balancing loss (config.moe_auxiliary_loss=True branch)
    num_experts = gates.shape[1]
    indices1_s = jnp.argmax(gates, axis=1)
    mask1 = jax.nn.one_hot(indices1_s, num_experts, dtype=gates.dtype)
    me = jnp.mean(gates, axis=0)
    ce = jnp.mean(mask1, axis=0)
    l_aux = jnp.mean(me * ce) * num_experts * num_experts
    return (l_aux, combine_weights)

if __name__ == "__main__":
    import jax
    _d = setup_inputs()
    print(jax.jit(kernel)(*tuple(_d.values())))

</pallas_src>

<mosaic_0001>
#map = affine_map<(d0, d1) -> (0, 0)>
module attributes {stable_mosaic.version = 14 : i64} {
  func.func @_sc_probe(%arg0: i32, %arg1: i32, %arg2: memref<16384x2048xf32, #tpu.memory_space<hbm>>, %arg3: memref<32x16xf32, #tpu.memory_space<hbm>>, %arg4: memref<32x2048xf32, #tpu.memory_space<vmem>>, %arg5: memref<1x16xf32, #tpu.memory_space<vmem>>, %arg6: memref<!tpu.dma_semaphore, #tpu.memory_space<semaphore_mem>>) attributes {dimension_semantics = [#tpu.dimension_semantics<core_parallel>, #tpu.dimension_semantics<subcore_parallel>], iteration_bounds = array<i64: 2, 16>, scalar_prefetch = 0 : i64, scratch_operands = 3 : i64, tpu.core_type = #tpu.core_type<sc_vector_subcore>, window_params = [{transform_indices = #map}, {transform_indices = #map}]} {
    %mul3A = arith.constant 2 : i32
    %mul3A_0 = arith.muli %arg1, %mul3A : i32
    %add3A = arith.addi %mul3A_0, %arg0 : i32
    %mul3A_1 = arith.constant 128 : i32
    %mul3A_2 = arith.muli %add3A, %mul3A_1 : i32
    %broadcast_in_dim3A = arith.constant 0.000000e+00 : f32
    %broadcast_in_dim3A_3 = vector.broadcast %broadcast_in_dim3A : f32 to vector<16xf32>
    %scan3A = arith.constant 0 : i32
    %scan3A_4 = arith.constant 4 : i32
    %scan3A_5 = arith.addi %scan3A, %scan3A_4 : i32
    %scan3A_6 = arith.constant 1 : i32
    %scan3A_7 = scf.for %scan3A_14 = %scan3A to %scan3A_5 step %scan3A_6 iter_args(%scan3A_15 = %broadcast_in_dim3A_3) -> (vector<16xf32>)  : i32 {
      %mul3A_16 = arith.constant 32 : i32
      %mul3A_17 = arith.muli %scan3A_14, %mul3A_16 : i32
      %add3A_18 = arith.addi %mul3A_2, %mul3A_17 : i32
      %dma_start3A = arith.constant 0 : i32
      %dma_start3A_19 = tpu.memref_slice %arg2[%add3A_18, %dma_start3A] : memref<16384x2048xf32, #tpu.memory_space<hbm>> -> memref<32x2048xf32, #tpu.memory_space<hbm>>
      %dma_start3A_20 = arith.constant 0 : i32
      %dma_start3A_21 = tpu.memref_slice %arg2[%add3A_18, %dma_start3A_20] : memref<16384x2048xf32, #tpu.memory_space<hbm>> -> memref<32x2048xf32, #tpu.memory_space<hbm>>
      tpu.enqueue_dma source(%dma_start3A_21 : memref<32x2048xf32, #tpu.memory_space<hbm>>) target(%arg4 : memref<32x2048xf32, #tpu.memory_space<vmem>>) target_semaphore(%arg6 : memref<!tpu.dma_semaphore, #tpu.memory_space<semaphore_mem>>)
      %dma_wait3A = arith.constant 0 : i32
      %dma_wait3A_22 = tpu.memref_slice %arg2[%add3A_18, %dma_wait3A] : memref<16384x2048xf32, #tpu.memory_space<hbm>> -> memref<32x2048xf32, #tpu.memory_space<hbm>>
      %dma_wait3A_23 = arith.constant 0 : i32
      %dma_wait3A_24 = tpu.memref_slice %arg2[%add3A_18, %dma_wait3A_23] : memref<16384x2048xf32, #tpu.memory_space<hbm>> -> memref<32x2048xf32, #tpu.memory_space<hbm>>
      tpu.wait_dma2 semaphore(%arg6 : memref<!tpu.dma_semaphore, #tpu.memory_space<semaphore_mem>>) src(%dma_wait3A_24 : memref<32x2048xf32, #tpu.memory_space<hbm>>) dst(%arg4 : memref<32x2048xf32, #tpu.memory_space<vmem>>)
      %get3A = arith.constant 0 : i32
      %get3A_25 = arith.index_cast %get3A : i32 to index
      %get3A_26 = arith.constant 0 : index
      %get3A_27 = tpu.vector_load %arg4[%get3A_25, %get3A_26] {strides = array<i32>} : memref<32x2048xf32, #tpu.memory_space<vmem>>, vector<1x16xf32>,
      %get3A_28 = vector.shape_cast %get3A_27 : vector<1x16xf32> to vector<16xf32>
      %add3A_29 = arith.addf %scan3A_15, %get3A_28 : vector<16xf32>
      scf.yield %add3A_29 : vector<16xf32>
    }
    %scan3A_8 = arith.constant 4 : i32
    %swap3A = arith.constant 0 : i32
    %swap3A_9 = arith.index_cast %swap3A : i32 to index
    %swap3A_10 = arith.constant 0 : index
    %swap3A_11 = tpu.vector_load %arg5[%swap3A_9, %swap3A_10] {strides = array<i32>} : memref<1x16xf32, #tpu.memory_space<vmem>>, vector<1x16xf32>,
    %swap3A_12 = vector.shape_cast %swap3A_11 : vector<1x16xf32> to vector<16xf32>
    %swap3A_13 = vector.shape_cast %scan3A_7 : vector<16xf32> to vector<1x16xf32>
    tpu.vector_store %arg5[%swap3A_9, %swap3A_10], %swap3A_13 {strides = array<i32>} : memref<1x16xf32, #tpu.memory_space<vmem>>, vector<1x16xf32>,
    "tpu.region"() ({
      %run_scoped3A = tpu.sem_alloc : memref<!tpu.dma_semaphore, #tpu.memory_space<semaphore_mem>>
      %dma_start3A = arith.constant 0 : i32
      %dma_start3A_14 = tpu.memref_slice %arg3[%add3A, %dma_start3A] : memref<32x16xf32, #tpu.memory_space<hbm>> -> memref<1x16xf32, #tpu.memory_space<hbm>>
      %dma_start3A_15 = arith.constant 0 : i32
      %dma_start3A_16 = tpu.memref_slice %arg3[%add3A, %dma_start3A_15] : memref<32x16xf32, #tpu.memory_space<hbm>> -> memref<1x16xf32, #tpu.memory_space<hbm>>
      tpu.enqueue_dma source(%arg5 : memref<1x16xf32, #tpu.memory_space<vmem>>) target(%dma_start3A_16 : memref<1x16xf32, #tpu.memory_space<hbm>>) target_semaphore(%run_scoped3A : memref<!tpu.dma_semaphore, #tpu.memory_space<semaphore_mem>>)
      %dma_wait3A = arith.constant 0 : i32
      %dma_wait3A_17 = tpu.memref_slice %arg3[%add3A, %dma_wait3A] : memref<32x16xf32, #tpu.memory_space<hbm>> -> memref<1x16xf32, #tpu.memory_space<hbm>>
      %dma_wait3A_18 = arith.constant 0 : i32
      %dma_wait3A_19 = tpu.memref_slice %arg3[%add3A, %dma_wait3A_18] : memref<32x16xf32, #tpu.memory_space<hbm>> -> memref<1x16xf32, #tpu.memory_space<hbm>>
      tpu.wait_dma2 semaphore(%run_scoped3A : memref<!tpu.dma_semaphore, #tpu.memory_space<semaphore_mem>>) src(%arg5 : memref<1x16xf32, #tpu.memory_space<vmem>>) dst(%dma_wait3A_19 : memref<1x16xf32, #tpu.memory_space<hbm>>)
      tpu.yield
    }) : () -> ()
    return
  }
}

module attributes {stable_mosaic.version = 14 : i64} {
  func.func @_gate_kernel(%arg0: i32, %arg1: memref<1024x2048xf32, #tpu.memory_space<vmem>>, %arg2: memref<2048x16xf32, #tpu.memory_space<vmem>>, %arg3: memref<16x1024xf32, #tpu.memory_space<vmem>>, %arg4: memref<1x1xf32, #tpu.memory_space<vmem>>, %arg5: memref<16x128xf32, #tpu.memory_space<vmem>>) attributes {dimension_semantics = [#tpu.dimension_semantics<arbitrary>], iteration_bounds = array<i64: 16>, scalar_prefetch = 0 : i64, scratch_operands = 1 : i64, tpu.core_type = #tpu.core_type<tc>, window_params = [{transform_indices = @transform_0, window_bounds = array<i64: 1024, 2048>}, {pipeline_mode = #tpu.pipeline_mode<synchronous>, transform_indices = @transform_1, window_bounds = array<i64: 2048, 16>}, {transform_indices = @transform_2, window_bounds = array<i64: 16, 1024>}, {pipeline_mode = #tpu.pipeline_mode<synchronous>, transform_indices = @transform_3, window_bounds = array<i64: 1, 1>}]} {
    %eq3A = arith.constant 0 : i32
    %eq3A_0 = arith.cmpi eq, %arg0, %eq3A : i32
    %convert_element_type3A = arith.extui %eq3A_0 : i1 to i32
    %cond3A = arith.constant 0 : i32
    %cond3A_1 = arith.cmpi ne, %convert_element_type3A, %cond3A : i32
    scf.if %cond3A_1 {
      %broadcast_in_dim3A_73 = arith.constant 0.000000e+00 : f32
      %broadcast_in_dim3A_74 = vector.broadcast %broadcast_in_dim3A_73 : f32 to vector<16x128xf32>
      %swap3A_75 = arith.constant 0 : index
      %swap3A_76 = arith.constant 0 : index
      %swap3A_77 = vector.load %arg5[%swap3A_75, %swap3A_76] : memref<16x128xf32, #tpu.memory_space<vmem>>, vector<16x128xf32>
      tpu.vector_store %arg5[%swap3A_75, %swap3A_76], %broadcast_in_dim3A_74 {strides = array<i32>} : memref<16x128xf32, #tpu.memory_space<vmem>>, vector<16x128xf32>,
    } else {
    }
    %get3A = arith.constant 0 : index
    %get3A_2 = arith.constant 0 : index
    %get3A_3 = vector.load %arg1[%get3A, %get3A_2] : memref<1024x2048xf32, #tpu.memory_space<vmem>>, vector<1024x2048xf32>
    %get3A_4 = arith.constant 0 : index
    %get3A_5 = arith.constant 0 : index
    %get3A_6 = vector.load %arg2[%get3A_4, %get3A_5] : memref<2048x16xf32, #tpu.memory_space<vmem>>, vector<2048x16xf32>
    %dot_general3A = arith.constant dense<0.000000e+00> : vector<1024x16xf32>
    %dot_general3A_7 = tpu.matmul %get3A_3, %get3A_6, %dot_general3A {dimension_numbers = #tpu.dot_dimension_numbers<[1], [0], [0], [1], [0, 0, 1, 1], [], []>, transpose_lhs_hint = false} : vector<1024x2048xf32>, vector<2048x16xf32>, vector<1024x16xf32> -> vector<1024x16xf32>
    %transpose3A = tpu.transpose %dot_general3A_7, [1, 0] : vector<1024x16xf32> -> vector<16x1024xf32>
    %reduce_max3A = arith.constant dense<0xFF800000> : vector<1024xf32>
    %reduce_max3A_8 = vector.multi_reduction <maximumf>, %transpose3A, %reduce_max3A [0] : vector<16x1024xf32> to vector<1024xf32>
    %broadcast_in_dim3A = vector.shape_cast %reduce_max3A_8 : vector<1024xf32> to vector<1x1024xf32>
    %sub3A = vector.broadcast %broadcast_in_dim3A : vector<1x1024xf32> to vector<16x1024xf32>
    %sub3A_9 = arith.subf %transpose3A, %sub3A : vector<16x1024xf32>
    %exp3A = math.exp %sub3A_9 : vector<16x1024xf32>
    %reduce_sum3A = arith.constant dense<0.000000e+00> : vector<1024xf32>
    %reduce_sum3A_10 = vector.multi_reduction <add>, %exp3A, %reduce_sum3A [0] : vector<16x1024xf32> to vector<1024xf32>
    %broadcast_in_dim3A_11 = vector.shape_cast %reduce_sum3A_10 : vector<1024xf32> to vector<1x1024xf32>
    %div3A = vector.broadcast %broadcast_in_dim3A_11 : vector<1x1024xf32> to vector<16x1024xf32>
    %div3A_12 = arith.divf %exp3A, %div3A : vector<16x1024xf32>
    %iota3A = tpu.iota {dimensions = array<i32: 0>} : vector<16x1024xi32>
    %reduce_max3A_13 = arith.constant dense<0xFF800000> : vector<1024xf32>
    %reduce_max3A_14 = vector.multi_reduction <maximumf>, %div3A_12, %reduce_max3A_13 [0] : vector<16x1024xf32> to vector<1024xf32>
    %broadcast_in_dim3A_15 = vector.shape_cast %reduce_max3A_14 : vector<1024xf32> to vector<1x1024xf32>
    %eq3A_16 = vector.broadcast %broadcast_in_dim3A_15 : vector<1x1024xf32> to vector<16x1024xf32>
    %eq3A_17 = arith.cmpf oeq, %div3A_12, %eq3A_16 : vector<16x1024xf32>
    %jit3A = arith.constant 16 : i32
    %broadcast_in_dim3A_18 = vector.broadcast %jit3A : i32 to vector<16x1024xi32>
    %select_n3A = arith.select %eq3A_17, %iota3A, %broadcast_in_dim3A_18 : vector<16x1024xi1>, vector<16x1024xi32>
    %reduce_min3A = arith.constant dense<2147483647> : vector<1024xi32>
    %reduce_min3A_19 = vector.multi_reduction <minsi>, %select_n3A, %reduce_min3A [0] : vector<16x1024xi32> to vector<1024xi32>
    %broadcast_in_dim3A_20 = vector.shape_cast %reduce_min3A_19 : vector<1024xi32> to vector<1x1024xi32>
    %eq3A_21 = vector.broadcast %broadcast_in_dim3A_20 : vector<1x1024xi32> to vector<16x1024xi32>
    %eq3A_22 = arith.cmpi eq, %iota3A, %eq3A_21 : vector<16x1024xi32>
    %jit3A_23 = arith.constant 0xFF800000 : f32
    %broadcast_in_dim3A_24 = vector.broadcast %jit3A_23 : f32 to vector<16x1024xf32>
    %select_n3A_25 = arith.select %eq3A_22, %broadcast_in_dim3A_24, %div3A_12 : vector<16x1024xi1>, vector<16x1024xf32>
    %reduce_max3A_26 = arith.constant dense<0xFF800000> : vector<1024xf32>
    %reduce_max3A_27 = vector.multi_reduction <maximumf>, %select_n3A_25, %reduce_max3A_26 [0] : vector<16x1024xf32> to vector<1024xf32>
    %broadcast_in_dim3A_28 = vector.shape_cast %reduce_max3A_27 : vector<1024xf32> to vector<1x1024xf32>
    %eq3A_29 = vector.broadcast %broadcast_in_dim3A_28 : vector<1x1024xf32> to vector<16x1024xf32>
    %eq3A_30 = arith.cmpf oeq, %select_n3A_25, %eq3A_29 : vector<16x1024xf32>
    %jit3A_31 = arith.constant 16 : i32
    %broadcast_in_dim3A_32 = vector.broadcast %jit3A_31 : i32 to vector<16x1024xi32>
    %select_n3A_33 = arith.select %eq3A_30, %iota3A, %broadcast_in_dim3A_32 : vector<16x1024xi1>, vector<16x1024xi32>
    %reduce_min3A_34 = arith.constant dense<2147483647> : vector<1024xi32>
    %reduce_min3A_35 = vector.multi_reduction <minsi>, %select_n3A_33, %reduce_min3A_34 [0] : vector<16x1024xi32> to vector<1024xi32>
    %broadcast_in_dim3A_36 = vector.shape_cast %reduce_min3A_35 : vector<1024xi32> to vector<1x1024xi32>
    %eq3A_37 = vector.broadcast %broadcast_in_dim3A_36 : vector<1x1024xi32> to vector<16x1024xi32>
    %eq3A_38 = arith.cmpi eq, %iota3A, %eq3A_37 : vector<16x1024xi32>
    %or3A = arith.ori %eq3A_22, %eq3A_38 : vector<16x1024xi1>
    %jit3A_39 = arith.constant 0.000000e+00 : f32
    %broadcast_in_dim3A_40 = vector.broadcast %jit3A_39 : f32 to vector<16x1024xf32>
    %select_n3A_41 = arith.select %or3A, %div3A_12, %broadcast_in_dim3A_40 : vector<16x1024xi1>, vector<16x1024xf32>
    %swap3A = arith.constant 0 : index
    %swap3A_42 = arith.constant 0 : index
    %swap3A_43 = vector.load %arg3[%swap3A, %swap3A_42] : memref<16x1024xf32, #tpu.memory_space<vmem>>, vector<16x1024xf32>
    tpu.vector_store %arg3[%swap3A, %swap3A_42], %select_n3A_41 {strides = array<i32>} : memref<16x1024xf32, #tpu.memory_space<vmem>>, vector<16x1024xf32>,
    %get3A_44 = arith.constant 0 : index
    %get3A_45 = arith.constant 0 : index
    %get3A_46 = vector.load %arg5[%get3A_44, %get3A_45] : memref<16x128xf32, #tpu.memory_space<vmem>>, vector<16x1xf32>
    %reduce_sum3A_47 = arith.constant dense<0.000000e+00> : vector<16xf32>
    %reduce_sum3A_48 = vector.multi_reduction <add>, %div3A_12, %reduce_sum3A_47 [1] : vector<16x1024xf32> to vector<16xf32>
    %broadcast_in_dim3A_49 = vector.shape_cast %reduce_sum3A_48 : vector<16xf32> to vector<16x1xf32>
    %add3A = arith.addf %get3A_46, %broadcast_in_dim3A_49 : vector<16x1xf32>
    %swap3A_50 = arith.constant 0 : index
    %swap3A_51 = arith.constant 0 : index
    %swap3A_52 = vector.load %arg5[%swap3A_50, %swap3A_51] : memref<16x128xf32, #tpu.memory_space<vmem>>, vector<16x1xf32>
    tpu.vector_store %arg5[%swap3A_50, %swap3A_51], %add3A {strides = array<i32>} : memref<16x128xf32, #tpu.memory_space<vmem>>, vector<16x1xf32>,
    %get3A_53 = arith.constant 0 : index
    %get3A_54 = arith.constant 1 : index
    %get3A_55 = vector.load %arg5[%get3A_53, %get3A_54] : memref<16x128xf32, #tpu.memory_space<vmem>>, vector<16x1xf32>
    %jit3A_56 = arith.constant 1.000000e+00 : f32
    %jit3A_57 = arith.constant 0.000000e+00 : f32
    %broadcast_in_dim3A_58 = vector.broadcast %jit3A_56 : f32 to vector<16x1024xf32>
    %broadcast_in_dim3A_59 = vector.broadcast %jit3A_57 : f32 to vector<16x1024xf32>
    %select_n3A_60 = arith.select %eq3A_22, %broadcast_in_dim3A_58, %broadcast_in_dim3A_59 : vector<16x1024xi1>, vector<16x1024xf32>
    %reduce_sum3A_61 = arith.constant dense<0.000000e+00> : vector<16xf32>
    %reduce_sum3A_62 = vector.multi_reduction <add>, %select_n3A_60, %reduce_sum3A_61 [1] : vector<16x1024xf32> to vector<16xf32>
    %broadcast_in_dim3A_63 = vector.shape_cast %reduce_sum3A_62 : vector<16xf32> to vector<16x1xf32>
    %add3A_64 = arith.addf %get3A_55, %broadcast_in_dim3A_63 : vector<16x1xf32>
    %swap3A_65 = arith.constant 0 : index
    %swap3A_66 = arith.constant 1 : index
    %swap3A_67 = vector.load %arg5[%swap3A_65, %swap3A_66] : memref<16x128xf32, #tpu.memory_space<vmem>>, vector<16x1xf32>
    tpu.vector_store %arg5[%swap3A_65, %swap3A_66], %add3A_64 {strides = array<i32>} : memref<16x128xf32, #tpu.memory_space<vmem>>, vector<16x1xf32>,
    %eq3A_68 = arith.constant 15 : i32
    %eq3A_69 = arith.cmpi eq, %arg0, %eq3A_68 : i32
    %convert_element_type3A_70 = arith.extui %eq3A_69 : i1 to i32
    %cond3A_71 = arith.constant 0 : i32
    %cond3A_72 = arith.cmpi ne, %convert_element_type3A_70, %cond3A_71 : i32
    scf.if %cond3A_72 {
      %get3A_73 = arith.constant 0 : index
      %get3A_74 = arith.constant 0 : index
      %get3A_75 = vector.load %arg5[%get3A_73, %get3A_74] : memref<16x128xf32, #tpu.memory_space<vmem>>, vector<16x1xf32>
      %mul3A = arith.constant 6.10351563E-5 : f32
      %mul3A_76 = vector.broadcast %mul3A : f32 to vector<16x1xf32>
      %mul3A_77 = arith.mulf %get3A_75, %mul3A_76 : vector<16x1xf32>
      %get3A_78 = arith.constant 0 : index
      %get3A_79 = arith.constant 1 : index
      %get3A_80 = vector.load %arg5[%get3A_78, %get3A_79] : memref<16x128xf32, #tpu.memory_space<vmem>>, vector<16x1xf32>
      %mul3A_81 = arith.constant 6.10351563E-5 : f32
      %mul3A_82 = vector.broadcast %mul3A_81 : f32 to vector<16x1xf32>
      %mul3A_83 = arith.mulf %get3A_80, %mul3A_82 : vector<16x1xf32>
      %mul3A_84 = arith.mulf %mul3A_77, %mul3A_83 : vector<16x1xf32>
      %reduce_sum3A_85 = vector.shape_cast %mul3A_84 : vector<16x1xf32> to vector<1x16x1xf32>
      %reduce_sum3A_86 = arith.constant dense<0.000000e+00> : vector<1xf32>
      %reduce_sum3A_87 = vector.multi_reduction <add>, %reduce_sum3A_85, %reduce_sum3A_86 [1, 2] : vector<1x16x1xf32> to vector<1xf32>
      %reduce_sum3A_88 = vector.shape_cast %reduce_sum3A_87 : vector<1xf32> to vector<1x1x1xf32>
      %reduce_sum3A_89 = vector.extract %reduce_sum3A_88[0, 0, 0] : f32 from vector<1x1x1xf32>
      %broadcast_in_dim3A_90 = vector.broadcast %reduce_sum3A_89 : f32 to vector<1x1xf32>
      %mul3A_91 = arith.constant 1.600000e+01 : f32
      %mul3A_92 = vector.broadcast %mul3A_91 : f32 to vector<1x1xf32>
      %mul3A_93 = arith.mulf %broadcast_in_dim3A_90, %mul3A_92 : vector<1x1xf32>
      %swap3A_94 = arith.constant 0 : index
      %swap3A_95 = arith.constant 0 : index
      %swap3A_96 = vector.load %arg4[%swap3A_94, %swap3A_95] : memref<1x1xf32, #tpu.memory_space<vmem>>, vector<1x1xf32>
      tpu.vector_store %arg4[%swap3A_94, %swap3A_95], %mul3A_93 {strides = array<i32>} : memref<1x1xf32, #tpu.memory_space<vmem>>, vector<1x1xf32>,
    } else {
    }
    return
  }
  func.func @transform_0(%arg0: i32) -> (i32, i32) {
    %c0_i32 = arith.constant 0 : i32
    %c0_i32_0 = arith.constant 0 : i32
    return %arg0, %c0_i32 : i32, i32
  }
  func.func @transform_1(%arg0: i32) -> (i32, i32) {
    %c0_i32 = arith.constant 0 : i32
    %c0_i32_0 = arith.constant 0 : i32
    %c0_i32_1 = arith.constant 0 : i32
    return %c0_i32, %c0_i32_0 : i32, i32
  }
  func.func @transform_2(%arg0: i32) -> (i32, i32) {
    %c0_i32 = arith.constant 0 : i32
    %c0_i32_0 = arith.constant 0 : i32
    return %c0_i32, %arg0 : i32, i32
  }
  func.func @transform_3(%arg0: i32) -> (i32, i32) {
    %c0_i32 = arith.constant 0 : i32
    %c0_i32_0 = arith.constant 0 : i32
    %c0_i32_1 = arith.constant 0 : i32
    return %c0_i32, %c0_i32_0 : i32, i32
  }
}

</mosaic_0001>

<sc_bundles>
// kernel: _run.4.cloned.1.call-start
scs
__scs_entry_jumppad:
0x0: {  	(pc) =	sbr.rel $0x88, $3  }
0x1: {  	(tag) =	ssettag $0x0;
	lr =	simm.s32 $0x1  }
0x2: {  	[smem:$0x3F9F] =	sst lr;
	_ =	strace $0xD0000000  }
0x3: {  	_ = 	snop  }
0x4: {  	_ = 	snop  }
0x5: {  	_ = 	snop  }
0x6: {  	_ = 	snop  }
0x7: {  	_ = 	snop  }
__scs_overlays_trampoline_lowered:
0x8: {  	[smem:$0x3FAE] =	sst s0  }
0x9: {  	[smem:$0x3FAF] =	sst s1  }
0xa: {  	[smem:$0x3FB0] =	sst s2  }
0xb: {  	[smem:$0x3FB1] =	sst s3  }
0xc: {  	[smem:$0x3FB2] =	sst s4  }
0xd: {  	[smem:$0x3FB3] =	sst s5  }
0xe: {  	[smem:$0x3FB4] =	sst s6  }
0xf: {  	[smem:$0x3FB5] =	sst s7  }
0x10: {  	[smem:$0x3FB6] =	sst s8  }
0x11: {  	[smem:$0x3FB7] =	sst s9;
	s0 =	simm.s32 @!p0 $0x0  }
0x12: {  	s1 =	sld [smem:$0x3F9D];
	s0 =	simm.s32 @p0 $0x1  }
0x13: {  	[smem:$0x3FB8] =	sst s0;
	s0 =	simm.s32 @!p1 $0x0  }
0x14: {  	s2 =	sld [smem:$0x3F9C];
	s0 =	simm.s32 @p1 $0x1  }
0x15: {  	[smem:$0x3FB9] =	sst s0;
	s0 =	simm.s32 @!p2 $0x0  }
0x16: {  	s3 =	sld [smem:$0x3FDB];
	s0 =	simm.s32 @p2 $0x1  }
0x17: {  	s4 =	simm.s32 $0x1BF5;
	[smem:$0x3FBB] =	sst s0  }
0x18: {  	s0 =	sld [smem:$0x3F9E];
	_ =	swait.ge [sflag:s4], $0x0  }
0x19: {  	s7 =	sld [smem:$0x3F9F]  }
0x1a: {  	s8 =	sadd.s32 $0xFFFFE003, lr  }
0x1b: {  	s9 =	sadd.s32 $0xFFFFFEF7, lr;
	s5 =	simm.s32 $0xFFFFFFFF;
	p2 =	slt.u32 s8, $0xFFFFF086  }
0x1c: {  	p1 =	slt.u32 s9, $0xF7A;
	s5 =	simm.s32 @!p2 $0x0  }
0x1d: {  	s5 =	simm.s32 @p1 $0x1;
	p0 =	seq.s32 s7, s2  }
0x1e: {  	s7 =	smul.u32 @!p0 $0xF7A, s2;
	p2 =	seq.s32 @!p0 s5, $0x0  }
0x1f: {  	s9 =	smul.u32 $0xF7A, s1;
	s8 =	simm.s32 @!p0 $0x1BF5;
	p2 =	por !p2, p0  }
0x20: {  	[sflag:s8] =	ssyncset.s32 @!p0 $0xFFFFF086;
	s6 =	sadd.s32 @!p0 s3, s7;
	s7 =	simm.s32 @!p0 $0x108  }
0x21: {  	s3 =	sadd.s32 s3, s9;
	s6 =	sadd.s32 @!p0 $0x88, s6;
	s7 =	simm.s32 @p2 $0x1082  }
0x22: {  	[simem:s7], [sflag:s8] =	dma.local @!p0 [hbm:s6], $0xF7A  }
0x23: {  	s9 =	sor.u32 $0xD0000000, s2;
	s6 =	simm.s32 $0x108;
	_ =	swait.ge @!p0 [sflag:s8], $0x0  }
0x24: {  	s3 =	sadd.s32 $0x88, s3;
	s6 =	simm.s32 @!p1 $0x1082;
	[sflag:s4] =	ssyncset.s32 $0xFFFFF086  }
0x25: {  	[simem:s6], [sflag:s4] =	dma.local [hbm:s3], $0xF7A  }
0x26: {  	[smem:$0x3F9F] =	sst s1;
	(tag) =	ssettag s2;
	_ =	strace s9  }
0x27: {  	s1 =	sld [smem:$0x3FAF]  }
0x28: {  	s2 =	sld [smem:$0x3FB0]  }
0x29: {  	s4 =	sld [smem:$0x3FB2]  }
0x2a: {  	p0 =	seq.s32 s5, $0x0;
	s5 =	sld [smem:$0x3FB3]  }
0x2b: {  	s6 =	sld [smem:$0x3FB4]  }
0x2c: {  	s7 =	sld [smem:$0x3FB5]  }
0x2d: {  	s3 =	simm.s32 $0x108;
	s8 =	sld [smem:$0x3FB6]  }
0x2e: {  	s3 =	simm.s32 @!p0 $0x1082;
	s9 =	sld [smem:$0x3FB7]  }
0x2f: {  	lr =	sadd.s32 s0, s3;
	s0 =	sld [smem:$0x3FAE]  }
0x30: {  	s3 =	sld [smem:$0x3FB1]  }
0x31: {  	[smem:$0x3FBA] =	sst s10  }
0x32: {  	s10 =	sld [smem:$0x3FB8];
	_ =	sdelay $0x3  }
0x33: {  	p0 =	seq.s32 s10, $0x1;
	s10 =	sld [smem:$0x3FBA];
	_ =	sdelay $0x3  }
0x34: {  	[smem:$0x3FBA] =	sst s10  }
0x35: {  	s10 =	sld [smem:$0x3FB9];
	_ =	sdelay $0x3  }
0x36: {  	p1 =	seq.s32 s10, $0x1;
	s10 =	sld [smem:$0x3FBA];
	_ =	sdelay $0x3  }
0x37: {  	[smem:$0x3FBA] =	sst s10  }
0x38: {  	s10 =	sld [smem:$0x3FBB]  }
0x39: {  	_ = 	snop;
	(pc) =	sbr.ind lr, $3  }
0x3a: {  	_ = 	snop  }
0x3b: {  	_ = 	snop  }
0x3c: {  	p2 =	seq.s32 s10, $0x1;
	s10 =	sld [smem:$0x3FBA]  }
0x3d: {  	_ =	shalt  }
0x3e: {  	_ =	shalt  }
0x3f: {  	_ =	shalt  }
0x40: {  	_ =	shalt  }
0x41: {  	_ =	shalt  }
0x42: {  	_ =	shalt  }
0x43: {  	_ =	shalt  }
0x44: {  	_ =	shalt  }
0x45: {  	_ =	shalt  }
0x46: {  	_ =	shalt  }
0x47: {  	_ =	shalt  }
0x48: {  	_ =	shalt  }
0x49: {  	_ =	shalt  }
0x4a: {  	_ =	shalt  }
0x4b: {  	_ =	shalt  }
0x4c: {  	_ =	shalt  }
0x4d: {  	_ =	shalt  }
0x4e: {  	_ =	shalt  }
0x4f: {  	_ =	shalt  }
0x50: {  	_ =	shalt  }
0x51: {  	_ =	shalt  }
0x52: {  	_ =	shalt  }
0x53: {  	_ =	shalt  }
0x54: {  	_ =	shalt  }
0x55: {  	_ =	shalt  }
0x56: {  	_ =	shalt  }
0x57: {  	_ =	shalt  }
0x58: {  	_ =	shalt  }
0x59: {  	_ =	shalt  }
0x5a: {  	_ =	shalt  }
0x5b: {  	_ =	shalt  }
0x5c: {  	_ =	shalt  }
0x5d: {  	_ =	shalt  }
0x5e: {  	_ =	shalt  }
0x5f: {  	_ =	shalt  }
0x60: {  	_ =	shalt  }
0x61: {  	_ =	shalt  }
0x62: {  	_ =	shalt  }
0x63: {  	_ =	shalt  }
0x64: {  	_ =	shalt  }
0x65: {  	_ =	shalt  }
0x66: {  	_ =	shalt  }
0x67: {  	_ =	shalt  }
0x68: {  	_ =	shalt  }
0x69: {  	_ =	shalt  }
0x6a: {  	_ =	shalt  }
0x6b: {  	_ =	shalt  }
0x6c: {  	_ =	shalt  }
0x6d: {  	_ =	shalt  }
0x6e: {  	_ =	shalt  }
0x6f: {  	_ =	shalt  }
0x70: {  	_ =	shalt  }
0x71: {  	_ =	shalt  }
0x72: {  	_ =	shalt  }
0x73: {  	_ =	shalt  }
0x74: {  	_ =	shalt  }
0x75: {  	_ =	shalt  }
0x76: {  	_ =	shalt  }
0x77: {  	_ =	shalt  }
0x78: {  	_ =	shalt  }
0x79: {  	_ =	shalt  }
0x7a: {  	_ =	shalt  }
0x7b: {  	_ =	shalt  }
0x7c: {  	_ =	shalt  }
0x7d: {  	_ =	shalt  }
0x7e: {  	_ =	shalt  }
0x7f: {  	_ =	shalt  }
0x80: {  	_ =	shalt  }
0x81: {  	_ =	shalt  }
0x82: {  	_ =	shalt  }
0x83: {  	_ =	shalt  }
0x84: {  	_ =	shalt  }
0x85: {  	_ =	shalt  }
0x86: {  	_ =	shalt  }
0x87: {  	_ =	shalt  }
.Lfunc_end0:
.L_simem_size_0:
called_computation_lowered:
.L_overlay_start_0:
0x88: {  	s2 =	sld [smem:$0x3FD9]  }
0x89: {  	s3 =	sld [smem:$0x3FFE];
	_ =	sdelay $0x1  }
0x8a: {  	s1 =	srdreg.scid  }
0x8b: {  	s0 =	sand.u32 $0x1, s1  }
0x8c: {  	s17 =	sshll.u32 s0, $0xA;
	s2 =	sadd.s32 s3, s2  }
0x8d: {  	s2 =	sadd.s32 s2, s17  }
0x8e: {  	[smem:$0x3FC6] =	sst s2  }
0x8f: {  	_ = 	snop  }
0x90: {  	s2 =	sld [smem:$0x3FC9];
	(tm) =	ssettm $0x1  }
0x91: {  	s18 =	sld [smem:$0x3FFB];
	_ =	sdelay $0x3  }
0x92: {  	_ =	strace s18  }
0x93: {  	s3 =	sld [smem:$0x3FFC];
	_ =	sdelay $0x3  }
0x94: {  	_ =	strace s3  }
0x95: {  	s3 =	sld [smem:$0x3FFD];
	_ =	sdelay $0x3  }
0x96: {  	_ =	strace s3  }
0x97: {  	_ =	strace $0x8FFFFFFF  }
0x98: {  	s19 =	sld [smem:$0x3FDB];
	_ =	sdelay $0x1  }
0x99: {  	s4 =	simm.s32 $_scs_section_size  }
0x9a: {  	s5 =	simm.s32 $_size__tile_overlayer_lowered;
	s6 =	simm.s32 $_tile_overlayer_lowered  }
0x9b: {  	s22 =	simm.s32 $0x1BFF;
	s21 =	sshll.u32 s6, $0x1;
	s3 =	sadd.s32 s4, s19  }
0x9c: {  	s7 =	simm.s32 $0x0;
	s20 =	sshll.u32 s5, $0x1;
	s5 =	sadd.s32 s21, s3  }
0x9d: {  	[timem:s7], [sflag:s22] =	dma.local [hbm:s5], s20  }
0x9e: {  	_ =	swait.ge [sflag:s22], s20  }
0x9f: {  	s4 =	ssub.s32 $0x0, s20;
	[sflag:s22] =	ssyncset.done $0x0  }
0xa0: {  	[sflag:s22] =	ssyncadd.s32 s4;
	_ =	sdelay $0x1  }
0xa1: {  	s23 =	simm.s32 $0x1B8B  }
0xa2: {  	_ =	swait.ge [sflag:s23], $0x1  }
0xa3: {  	[sflag:s23] =	ssyncset.done $0x0  }
0xa4: {  	s25 =	simm.s32 $0x1B8E;
	s24 =	sld [smem:$0x3FFE];
	[sflag:s23] =	ssyncadd.s32 $0xFFFFFFFF  }
0xa5: {  	s26 =	simm.s32 $execute0_lowered;
	[smem:$0x3FD2] =	sst s25  }
0xa6: {  	s5 =	sshll.u32 s26, $0x1;
	_ =	strace $0x80000046;
	[dreg:$0x1] =	wrdreg $0xFFFFFFFF  }
0xa7: {  	s28 =	simm.s32 $_size_execute0_lowered;
	s3 =	sadd.s32 s3, s5;
	[dreg:$0x0] =	wrdreg $0x0  }
0xa8: {  	s5 =	sshll.u32 s28, $0x1;
	[dreg:$0x2] =	wrdreg s3  }
0xa9: {  	[dreg:$0x3] =	wrdreg s5  }
0xaa: {  	[dreg:$0x4] =	wrdreg $0xC0  }
0xab: {  	_ =	task [dreg:s7], $0x5FFFF  }
0xac: {  	[dreg:$0x1] =	wrdreg $0xFFFFFFFF  }
0xad: {  	[dreg:$0x0] =	wrdreg $0x60  }
0xae: {  	[dreg:$0x2] =	wrdreg s2  }
0xaf: {  	[dreg:$0x3] =	wrdreg s24  }
0xb0: {  	[dreg:$0x4] =	wrdreg $0x9  }
0xb1: {  	_ =	task.clear_ibuf [dreg:s7], $0x5FFFF;
	_ =	strace $0x90000046  }
0xb2: {  	s29 =	simm.s32 $0x9;
	_ =	strace $0x80000048  }
0xb3: {  	_ =	swait.ge [sflag:s29], $0x1  }
0xb4: {  	[sflag:s29] =	ssyncadd.s32 $0xFFFFFFFF  }
0xb5: {  	_ =	strace $0x90000048  }
0xb6: {  	_ =	sfence  }
0xb7: {  	s30 =	sld [smem:$0x0];
	_ =	sdelay $0x2  }
0xb8: {  	s31 =	sshll.u32 s1, $0xD;
	s1 =	sshrl.u32 s1, $0x2  }
0xb9: {  	s3 =	sand.u32 $0x4000, s31;
	s1 =	sadd.s32 s1, s30  }
0xba: {  	s0 =	sor.u32 s3, s0;
	s1 =	sshll.u32 s1, $0x11  }
0xbb: {  	s0 =	sor.u32 s1, s0  }
0xbc: {  	s0 =	sadd.s32 $0x8F2B, s0  }
0xbd: {  	[sflag:s0] =	ssyncadd.remote.s32 $0x1  }
0xbe: {  	_ =	sfence.sel $0xFFFF  }
0xbf: {  	[dreg:$0x0] =	wrdreg $0xFFFFFFFF;
	(pc) =	sbr.abs _section_cstart, $3  }
0xc0: {  	[dreg:$0x1] =	wrdreg $0xFFFFFFFF  }
0xc1: {  	_ =	task.clear_ibuf [dreg:s7], $0x2FFFF;
	_ =	strace $0x9FFFFFFF  }
0xc2: {  	(tm) =	ssettm $0x7FFFFFFF  }
0xc3: {  	_ =	shalt  }
tec
execute0_lowered:
.L_overlay_start_1:
0x0: {  	(tag) =	ssettag $0x1  }
0x1: {  	s3 =	rddreg [dreg:$0x0]  }
0x2: {  	s1 =	srdreg.scid;
	s0 =	stileid.u32  }
0x3: {  	s8 =	rddreg [dreg:$0x1];
	s9 =	sand.u32 $0x1, s1;
	s4 =	sshll.u32 s0, $0x1  }
0x4: {  	s2 =	simm.s32 $0x0;
	s1 =	rddreg [dreg:$0x2];
	s10 =	sor.u32 s9, s4  }
0x5: {  	[smem:$0x7FF] =	sst s2;
	s4 =	sshll.u32 s10, $0xF  }
0x6: {  	_ =	strace $0x80000047;
	s3 =	sadd.s32 s3, s4;
	s4 =	simm.s32 $0x1  }
0x7: {  	[tilespmem:s2], [sflag:$0x1] =	stream.linear.gather [hbm4b:s3+s2], $0x10000, $0x38;
	[tilespmem:$0x10080] =	vst v63  }
0x8: {  	_ =	swait.ge [sflag:s4], $0x10000  }
0x9: {  	[sflag:s4] =	ssyncset.done $0x0  }
0xa: {  	s5 =	sadd.s32 $0x2000, s3;
	[sflag:s4] =	ssyncadd.s32 $0xFFFF0000  }
0xb: {  	v0 =	vld [tilespmem:$0x0];
	[tilespmem:s2], [sflag:$0x1] =	stream.linear.gather [hbm4b:s5+s2], $0x10000, $0x38  }
0xc: {  	_ =	swait.ge [sflag:s4], $0x10000  }
0xd: {  	[sflag:s4] =	ssyncset.done $0x0  }
0xe: {  	s6 =	sadd.s32 $0x4000, s3;
	[sflag:s4] =	ssyncadd.s32 $0xFFFF0000  }
0xf: {  	v1 =	vld [tilespmem:$0x0];
	[tilespmem:s2], [sflag:$0x1] =	stream.linear.gather [hbm4b:s6+s2], $0x10000, $0x38  }
0x10: {  	_ =	swait.ge [sflag:s4], $0x10000  }
0x11: {  	[sflag:s4] =	ssyncset.done $0x0  }
0x12: {  	s7 =	sadd.s32 $0x6000, s3;
	[sflag:s4] =	ssyncadd.s32 $0xFFFF0000  }
0x13: {  	v2 =	vld [tilespmem:$0x0];
	[tilespmem:s2], [sflag:$0x1] =	stream.linear.gather [hbm4b:s7+s2], $0x10000, $0x38  }
0x14: {  	_ =	swait.ge [sflag:s4], $0x10000  }
0x15: {  	[sflag:s4] =	ssyncset.done $0x0  }
0x16: {  	v0 =	vadd.f32 $0.0e+00, v0;
	[sflag:s4] =	ssyncadd.s32 $0xFFFF0000  }
0x17: {  	v3 =	vld [tilespmem:$0x0]  }
0x18: {  	s9 =	ssub.s32 $0x2, s9;
	v0 =	vadd.f32 v1, v0  }
0x19: {  	s31 =	sshrl.u32 s9, $0x1  }
0x1a: {  	s9 =	ssub.s32 s9, s31;
	v0 =	vadd.f32 v2, v0  }
0x1b: {  	s11 =	smax.u32 s9, $0x1  }
0x1c: {  	s10 =	sshll.u32 s10, $0x4;
	p0 =	sne.s32 s11, $0x1;
	v0 =	vadd.f32 v3, v0  }
.Ltmp0:
0x1d: {  	s8 =	sadd.s32 s10, s8;
	(pc) =	sbr.rel @!p0 .LBB2_2-.Ltmp0, $4  }
0x1e: {  	s10 =	simm.s32 $0x10000;
	s8 =	sadd.s32 $0x800, s8;
	s9 =	simm.s32 $0x2;
	[tilespmem:$0x10000] =	vst v0  }
0x1f: {  	[hbm4b:s8+s2] =	stream.linear.scatter [tilespmem:s10], [sflag:$0x2], $0x80, $0x38;
	[tilespmem:$0x10080] =	vst v63  }
0x20: {  	_ =	swait.ge [sflag:s9], $0x80  }
0x21: {  	s11 =	sadd.s32 $0xFFFFFFFF, s11;
	[sflag:s9] =	ssyncset.done $0x0  }
.LBB2_1:
0x22: {  	p0 =	sne.s32 s11, $0x1;
	s11 =	sadd.s32 $0xFFFFFFFF, s11;
	[sflag:s9] =	ssyncadd.s32 $0xFFFFFF80  }
0x23: {  	[tilespmem:s2], [sflag:$0x1] =	stream.linear.gather [hbm4b:s3+s2], $0x10000, $0x38;
	[tilespmem:$0x10080] =	vst v63  }
0x24: {  	_ =	swait.ge [sflag:s4], $0x10000  }
0x25: {  	[sflag:s4] =	ssyncset.done $0x0  }
0x26: {  	[sflag:s4] =	ssyncadd.s32 $0xFFFF0000  }
0x27: {  	v0 =	vld [tilespmem:$0x0]  }
0x28: {  	[tilespmem:s2], [sflag:$0x1] =	stream.linear.gather [hbm4b:s5+s2], $0x10000, $0x38;
	[tilespmem:$0x10080] =	vst v63  }
0x29: {  	_ =	swait.ge [sflag:s4], $0x10000  }
0x2a: {  	[sflag:s4] =	ssyncset.done $0x0  }
0x2b: {  	[sflag:s4] =	ssyncadd.s32 $0xFFFF0000  }
0x2c: {  	v1 =	vld [tilespmem:$0x0]  }
0x2d: {  	[tilespmem:s2], [sflag:$0x1] =	stream.linear.gather [hbm4b:s6+s2], $0x10000, $0x38;
	[tilespmem:$0x10080] =	vst v63  }
0x2e: {  	_ =	swait.ge [sflag:s4], $0x10000  }
0x2f: {  	[sflag:s4] =	ssyncset.done $0x0  }
0x30: {  	[sflag:s4] =	ssyncadd.s32 $0xFFFF0000  }
0x31: {  	v2 =	vld [tilespmem:$0x0]  }
0x32: {  	[tilespmem:s2], [sflag:$0x1] =	stream.linear.gather [hbm4b:s7+s2], $0x10000, $0x38;
	[tilespmem:$0x10080] =	vst v63  }
0x33: {  	_ =	swait.ge [sflag:s4], $0x10000  }
0x34: {  	[sflag:s4] =	ssyncset.done $0x0  }
0x35: {  	v0 =	vadd.f32 $0.0e+00, v0;
	[sflag:s4] =	ssyncadd.s32 $0xFFFF0000  }
0x36: {  	v3 =	vld [tilespmem:$0x0]  }
0x37: {  	v0 =	vadd.f32 v1, v0;
	_ =	sdelay $0x1  }
0x38: {  	v0 =	vadd.f32 v2, v0;
	_ =	sdelay $0x1  }
0x39: {  	v0 =	vadd.f32 v3, v0  }
.Ltmp1:
0x3a: {  	(pc) =	sbr.rel @p0 .LBB2_1-.Ltmp1, $4  }
0x3b: {  	[tilespmem:$0x10000] =	vst v0  }
0x3c: {  	[hbm4b:s8+s2] =	stream.linear.scatter [tilespmem:s10], [sflag:$0x2], $0x80, $0x38;
	[tilespmem:$0x10080] =	vst v63  }
0x3d: {  	_ =	swait.ge [sflag:s9], $0x80  }
0x3e: {  	[sflag:s9] =	ssyncset.done $0x0  }
.LBB2_2:
0x3f: {  	[sflag:s9] =	ssyncadd.s32 $0xFFFFFF80  }
0x40: {  	_ =	sfence.sel $0x180000  }
0x41: {  	[bflag:$0x0] =	sbarrier.arrive $0xFFFF  }
0x42: {  	p0 =	sne.s32 s0, $0x0;
	_ =	strace $0x90000047  }
0x43: {  	s0 =	sadd.s32 @!p0 $0x100000, s1;
	[bflag:$0x2] =	sbarrier.arrive $0xFFFF  }
0x44: {  	[sflag:s0] =	ssyncadd.tile.s32 @!p0 $0x1;
	_ =	shalt  }
.Lfunc_end2:
_tile_overlayer_lowered:
.L_overlay_start_2:
0x45: {  	(tag) =	ssettag $0x2  }
0x46: {  	s0 =	rddreg [dreg:$0x0];
	s2 =	stileid.u32  }
0x47: {  	s1 =	rddreg [dreg:$0x1];
	p0 =	sne.s32 s2, $0x0  }
0x48: {  	s3 =	rddreg [dreg:$0x2];
	[bflag:$0x3] =	sbarrier.arrive $0xFFFF;
	s2 =	simm.s32 @!p0 $0x1C02  }
0x49: {  	[timem:s3], [sflag:s2] =	dma.local @!p0 [hbm:s0], s1  }
0x4a: {  	s0 =	simm.s32 @!p0 $0x2  }
0x4b: {  	_ =	swait.ge @!p0 [sflag:s0], s1  }
0x4c: {  	s1 =	ssub.s32 @!p0 $0x0, s1;
	[sflag:s0] =	ssyncset.done @!p0 $0x0  }
0x4d: {  	[sflag:s0] =	ssyncadd.s32 @!p0 s1  }
0x4e: {  	[bflag:$0x3] =	sbarrier.arrive $0xFFFF  }
0x4f: {  	_ =	shalt  }

</sc_bundles>
